<compile_context>
chip_gen: v7x
topology: tpu7x:2x2x1
jax: 0.10.2.dev20260603
libtpu: 0.0.44.dev20260713+nightly
codegen_flags: <defaults>
</compile_context>

<pallas_src>
import functools

import numpy as np
import jax
import jax.numpy as jnp
from jax import lax
from jax.experimental import pallas as pl
from jax.experimental.pallas import tpu as pltpu
from jax.experimental.pallas import tpu_sc as plsc

NUM_FIELDS = 26
CLASSES = 32
CAT_DIM = NUM_FIELDS * CLASSES
NUM_NUM = 16
T_STEPS = 1000
T_PAD = 1024
NCOEF = 128
BATCH = 16384
BLK = 512
LOGK = float(np.log(np.float32(CLASSES)))
NEG = float(np.log(np.float32(1e-30)))

SC_CORES = 2
SC_SUBCORES = 16
NW = SC_CORES * SC_SUBCORES
BPW = BATCH // NW
CHUNK = 128


def _schedule_body(beta_ref, tab_ref):
    beta = beta_ref[...]
    alpha = 1.0 - beta
    la = jnp.log(alpha)
    row = lax.broadcasted_iota(jnp.int32, (T_PAD, T_PAD), 0)
    col = lax.broadcasted_iota(jnp.int32, (T_PAD, T_PAD), 1)
    tri = (col <= row).astype(jnp.float32)
    s = jnp.dot(tri, la, preferred_element_type=jnp.float32)
    s_prev = s - la
    ca = jnp.exp(s)
    one_min = 1.0 - ca
    ca_prev = jnp.exp(s_prev)
    one_min_prev = 1.0 - ca_prev
    sqrt_ca = jnp.sqrt(ca)
    sqrt_1m = jnp.sqrt(one_min)
    coef1 = beta * jnp.sqrt(ca_prev) / one_min
    coef2 = one_min_prev * jnp.sqrt(alpha) / one_min
    sqrt_pv = jnp.sqrt(beta * one_min_prev / one_min)
    log_1m_ca_prev = jnp.maximum(jnp.log(one_min_prev), -1e30)
    lb = jnp.log(beta)
    zeros = jnp.zeros((T_PAD, NCOEF - 9), jnp.float32)
    tab_ref[...] = jnp.concatenate(
        [sqrt_ca, sqrt_1m, coef1, coef2, sqrt_pv, la, lb, s_prev,
         log_1m_ca_prev, zeros],
        axis=1)


def _gather_coeffs(table, t):
    mesh = plsc.VectorSubcoreMesh(core_axis_name="c", subcore_axis_name="s")

    @functools.partial(
        pl.kernel,
        mesh=mesh,
        out_type=jax.ShapeDtypeStruct((BATCH, NCOEF), jnp.float32),
        scratch_types=[
            pltpu.VMEM((BPW,), jnp.int32),
            pltpu.VMEM((BPW, NCOEF), jnp.float32),
            pltpu.SemaphoreType.DMA,
        ],
    )
    def k(tab_hbm, t_hbm, out_hbm, idx_v, rows_v, sem):
        wid = lax.axis_index("s") * SC_CORES + lax.axis_index("c")
        base = wid * BPW
        pltpu.sync_copy(t_hbm.at[pl.ds(base, BPW)], idx_v)
        copies = [
            pltpu.async_copy(
                tab_hbm.at[idx_v.at[pl.ds(j * CHUNK, CHUNK)]],
                rows_v.at[pl.ds(j * CHUNK, CHUNK)],
                sem,
            )
            for j in range(BPW // CHUNK)
        ]
        for cp in copies:
            cp.wait()
        pltpu.sync_copy(rows_v, out_hbm.at[pl.ds(base, BPW)])

    return k(table, t)


def _rot(x, k):
    return jnp.concatenate([x[:, k:], x[:, :k]], axis=1)


def _seg_max(x):
    pos = lax.broadcasted_iota(jnp.int32, x.shape, 1) % CLASSES
    n = x.shape[1]
    for k in (1, 2, 4, 8, 16):
        r1 = _rot(x, k)
        r2 = _rot(x, n - (CLASSES - k))
        x = jnp.maximum(x, jnp.where(pos < CLASSES - k, r1, r2))
    return x


def _main_body(xn_ref, ep_ref, nz_ref, pred_ref, u_ref, idx_ref, cf_ref,
               out_ref, ls_ref):
    blk = xn_ref.shape[0]
    cf = cf_ref[...]
    c0 = cf[:, 0:1]
    c1 = cf[:, 1:2]
    c2 = cf[:, 2:3]
    c3 = cf[:, 3:4]
    c4 = cf[:, 4:5]
    c5 = cf[:, 5:6]
    c6 = cf[:, 6:7]
    c7 = cf[:, 7:8]
    c8 = cf[:, 8:9]

    x = xn_ref[...]
    x0 = (x - c1 * ep_ref[...]) / c0
    gauss = c2 * x0 + c3 * x + c4 * nz_ref[...]

    erow = lax.broadcasted_iota(jnp.int32, (NUM_FIELDS, CAT_DIM), 0)
    ecol = lax.broadcasted_iota(jnp.int32, (NUM_FIELDS, CAT_DIM), 1) // CLASSES
    E = (erow == ecol).astype(jnp.float32)
    srow = lax.broadcasted_iota(jnp.int32, (CAT_DIM, NUM_FIELDS), 0) // CLASSES
    scol = lax.broadcasted_iota(jnp.int32, (CAT_DIM, NUM_FIELDS), 1)
    S = (srow == scol).astype(jnp.float32)

    pred = pred_ref[...]
    e1 = jnp.exp(pred)
    lse1 = jnp.log(jnp.dot(e1, S, preferred_element_type=jnp.float32))
    log_x0 = pred - jnp.dot(lse1, E, preferred_element_type=jnp.float32)

    a = log_x0 + c7
    b = c8 - LOGK
    m = jnp.maximum(a, b)
    log_ev = m + jnp.log(jnp.exp(a - m) + jnp.exp(b - m))

    idxf = idx_ref[...].astype(jnp.float32)
    idxb = jnp.dot(idxf, E, preferred_element_type=jnp.float32)
    pos = lax.broadcasted_iota(jnp.int32, (blk, CAT_DIM), 1) % CLASSES
    onehot = jnp.abs(idxb - pos.astype(jnp.float32)) < 0.5
    b2 = c6 - LOGK
    mq = jnp.maximum(c5, b2)
    qa = mq + jnp.log(jnp.exp(c5 - mq) + jnp.exp(b2 - mq))
    q_one = jnp.where(onehot, qa, b2)

    z = log_ev + q_one
    s2 = jnp.dot(jnp.exp(z), S, preferred_element_type=jnp.float32)
    log_dist = z - jnp.dot(jnp.log(s2), E, preferred_element_type=jnp.float32)

    g = -jnp.log(1e-30 - jnp.log(u_ref[...] + 1e-30))
    pert = g + log_dist
    mx = _seg_max(pert)
    ls = jnp.where(pert == mx, 0.0, NEG)

    out_ref[...] = jnp.concatenate([gauss, log_dist], axis=1)
    ls_ref[...] = ls


def _main_call(x_num_t, eps_pred, noise, pred, uniform, x_cat_idx, coeffs,
               interpret=False):
    nblk = BATCH // BLK
    return pl.pallas_call(
        _main_body,
        grid=(nblk,),
        in_specs=[
            pl.BlockSpec((BLK, NUM_NUM), lambda i: (i, 0)),
            pl.BlockSpec((BLK, NUM_NUM), lambda i: (i, 0)),
            pl.BlockSpec((BLK, NUM_NUM), lambda i: (i, 0)),
            pl.BlockSpec((BLK, CAT_DIM), lambda i: (i, 0)),
            pl.BlockSpec((BLK, CAT_DIM), lambda i: (i, 0)),
            pl.BlockSpec((BLK, NUM_FIELDS), lambda i: (i, 0)),
            pl.BlockSpec((BLK, NCOEF), lambda i: (i, 0)),
        ],
        out_specs=[
            pl.BlockSpec((BLK, NUM_NUM + CAT_DIM), lambda i: (i, 0)),
            pl.BlockSpec((BLK, CAT_DIM), lambda i: (i, 0)),
        ],
        out_shape=[
            jax.ShapeDtypeStruct((BATCH, NUM_NUM + CAT_DIM), jnp.float32),
            jax.ShapeDtypeStruct((BATCH, CAT_DIM), jnp.float32),
        ],
        interpret=interpret,
    )(x_num_t, eps_pred, noise, pred, uniform, x_cat_idx, coeffs)


def _schedule_call(beta, interpret=False):
    beta_p = jnp.pad(beta.astype(jnp.float32), (0, T_PAD - T_STEPS),
                     constant_values=0.5).reshape(T_PAD, 1)
    return pl.pallas_call(
        _schedule_body,
        out_shape=jax.ShapeDtypeStruct((T_PAD, NCOEF), jnp.float32),
        interpret=interpret,
    )(beta_p)


def kernel(x_num_t, eps_pred, pred, noise, uniform, x_cat_idx, t, beta):
    table = _schedule_call(beta)
    coeffs = _gather_coeffs(table, t.astype(jnp.int32))
    out, ls = _main_call(x_num_t, eps_pred, noise, pred, uniform,
                         x_cat_idx, coeffs)
    return (out, ls)

# --- scband reference (transcript-rebuilt; emitter-appended) ---
"""Pipeline reference for scband-tab-ddpm-58780922413564 (READ-ONLY COPY).

The authoritative reference and input builder live on the scoring server;
editing this copy changes nothing except your own understanding.
"""

import jax, jax.numpy as jnp
import numpy as np

NUM_FIELDS = 26
CLASSES_PER_FIELD = 32
CAT_DIM = NUM_FIELDS * CLASSES_PER_FIELD
NUM_NUM = 16
T_STEPS = 1000
BATCH = 16384


def _log_add_exp(a, b):
    m = jnp.maximum(a, b)
    return m + jnp.log(jnp.exp(a - m) + jnp.exp(b - m))


def _index_to_log_onehot(idx):
    oh = jax.nn.one_hot(idx, CLASSES_PER_FIELD, dtype=jnp.float32)
    oh = oh.reshape(idx.shape[0], CAT_DIM)
    return jnp.log(jnp.clip(oh, 1e-30, 1.0))


def setup_inputs(seed: int = 0) -> dict:
    key = jax.random.key(seed)
    ks = jax.random.split(key, 8)
    beta = jnp.asarray(np.linspace(1e-4, 0.02, T_STEPS).astype(np.float32))
    return {
        "x_num_t": jax.random.normal(ks[0], (BATCH, NUM_NUM), dtype=jnp.float32),
        "eps_pred": jax.random.normal(ks[1], (BATCH, NUM_NUM), dtype=jnp.float32),
        "pred": jax.random.normal(ks[2], (BATCH, CAT_DIM), dtype=jnp.float32),
        "noise": jax.random.normal(ks[3], (BATCH, NUM_NUM), dtype=jnp.float32),
        "uniform": jax.random.uniform(ks[4], (BATCH, CAT_DIM), dtype=jnp.float32, minval=1e-6, maxval=1.0),
        "x_cat_idx": jax.random.randint(ks[5], (BATCH, NUM_FIELDS), 0, CLASSES_PER_FIELD),
        "t": jax.random.randint(ks[6], (BATCH,), 0, T_STEPS),
        "beta": beta,
    }


def reference(x_num_t, eps_pred, pred, noise, uniform, x_cat_idx, t, beta):
    B = x_num_t.shape[0]
    alpha = 1.0 - beta
    cumprod_alpha = jnp.cumprod(alpha)
    cumprod_alpha_prev = jnp.concatenate([jnp.ones((1,), dtype=beta.dtype), cumprod_alpha[:-1]])
    one_min_ca = 1.0 - cumprod_alpha
    sqrt_ca = jnp.sqrt(cumprod_alpha)
    sqrt_1m_ca = jnp.sqrt(one_min_ca)
    coef1 = beta * jnp.sqrt(cumprod_alpha_prev) / one_min_ca
    coef2 = (1.0 - cumprod_alpha_prev) * jnp.sqrt(alpha) / one_min_ca
    post_var = beta * (1.0 - cumprod_alpha_prev) / one_min_ca
    log_alpha = jnp.log(alpha)
    log_1m_alpha = jnp.log(1.0 - alpha)
    log_ca = jnp.log(cumprod_alpha)
    log_1m_ca = jnp.log(one_min_ca)

    ext = lambda arr: arr[t][:, None]

    # ---- gaussian p_sample for numerical features ----
    x_0 = (x_num_t - ext(sqrt_1m_ca) * eps_pred) / ext(sqrt_ca)
    mean = ext(coef1) * x_0 + ext(coef2) * x_num_t
    gauss_sample = mean + jnp.sqrt(ext(post_var)) * noise

    # ---- multinomial p_sample for categorical features ----
    log_x_t = _index_to_log_onehot(x_cat_idx)
    logK = jnp.log(jnp.float32(CLASSES_PER_FIELD))
    # multinomial_x_0_from_pred: per-slice log_softmax (all slices same width)
    log_x_0 = jax.nn.log_softmax(pred.reshape(B, NUM_FIELDS, CLASSES_PER_FIELD), axis=-1).reshape(B, CAT_DIM)
    # multinomial_q_posterior_dist
    t_m1 = jnp.maximum(t - 1, 0)
    ext1 = lambda arr: arr[t_m1][:, None]
    log_EV = _log_add_exp(log_x_0 + ext1(log_ca), ext1(log_1m_ca) - logK)
    log_EV = jnp.where((t == 0)[:, None], log_x_0, log_EV)
    q_one = _log_add_exp(log_x_t + ext(log_alpha), ext(log_1m_alpha) - logK)
    unnormed = log_EV + q_one
    lse = jax.scipy.special.logsumexp(unnormed.reshape(B, NUM_FIELDS, CLASSES_PER_FIELD), axis=-1, keepdims=True)
    log_dist = (unnormed.reshape(B, NUM_FIELDS, CLASSES_PER_FIELD) - lse).reshape(B, CAT_DIM)
    # log_sample_categorical via gumbel-argmax per field
    gumbel = -jnp.log(-jnp.log(uniform + 1e-30) + 1e-30)
    perturbed = (gumbel + log_dist).reshape(B, NUM_FIELDS, CLASSES_PER_FIELD)
    sample_idx = jnp.argmax(perturbed, axis=-1)
    log_sample = _index_to_log_onehot(sample_idx)

    out = jnp.concatenate([gauss_sample, log_dist], axis=1)
    return (out, log_sample)

if __name__ == "__main__":
    import jax
    _d = setup_inputs()
    print(jax.jit(kernel)(*tuple(_d.values())))

</pallas_src>

<mosaic_0001>
#map = affine_map<(d0, d1) -> (0, 0)>
#map1 = affine_map<(d0, d1) -> (0)>
module attributes {stable_mosaic.version = 14 : i64} {
  func.func @k(%arg0: i32, %arg1: i32, %arg2: memref<1024x128xf32, #tpu.memory_space<hbm>>, %arg3: memref<16384xi32, #tpu.memory_space<hbm>>, %arg4: memref<16384x128xf32, #tpu.memory_space<hbm>>, %arg5: memref<512xi32, #tpu.memory_space<vmem>>, %arg6: memref<512x128xf32, #tpu.memory_space<vmem>>, %arg7: memref<!tpu.dma_semaphore, #tpu.memory_space<semaphore_mem>>) attributes {dimension_semantics = [#tpu.dimension_semantics<core_parallel>, #tpu.dimension_semantics<subcore_parallel>], iteration_bounds = array<i64: 2, 16>, scalar_prefetch = 0 : i64, scratch_operands = 3 : i64, tpu.core_type = #tpu.core_type<sc_vector_subcore>, window_params = [{transform_indices = #map}, {transform_indices = #map1}, {transform_indices = #map}]} {
    %mul3A = arith.constant 2 : i32
    %mul3A_0 = arith.muli %arg1, %mul3A : i32
    %add3A = arith.addi %mul3A_0, %arg0 : i32
    %mul3A_1 = arith.constant 512 : i32
    %mul3A_2 = arith.muli %add3A, %mul3A_1 : i32
    "tpu.region"() ({
      %run_scoped3A = tpu.sem_alloc : memref<!tpu.dma_semaphore, #tpu.memory_space<semaphore_mem>>
      %dma_start3A_65 = tpu.memref_slice %arg3[%mul3A_2] : memref<16384xi32, #tpu.memory_space<hbm>> -> memref<512xi32, #tpu.memory_space<hbm>>
      %dma_start3A_66 = tpu.memref_slice %arg3[%mul3A_2] : memref<16384xi32, #tpu.memory_space<hbm>> -> memref<512xi32, #tpu.memory_space<hbm>>
      tpu.enqueue_dma source(%dma_start3A_66 : memref<512xi32, #tpu.memory_space<hbm>>) target(%arg5 : memref<512xi32, #tpu.memory_space<vmem>>) target_semaphore(%run_scoped3A : memref<!tpu.dma_semaphore, #tpu.memory_space<semaphore_mem>>)
      %dma_wait3A_67 = tpu.memref_slice %arg3[%mul3A_2] : memref<16384xi32, #tpu.memory_space<hbm>> -> memref<512xi32, #tpu.memory_space<hbm>>
      %dma_wait3A_68 = tpu.memref_slice %arg3[%mul3A_2] : memref<16384xi32, #tpu.memory_space<hbm>> -> memref<512xi32, #tpu.memory_space<hbm>>
      tpu.wait_dma2 semaphore(%run_scoped3A : memref<!tpu.dma_semaphore, #tpu.memory_space<semaphore_mem>>) src(%dma_wait3A_68 : memref<512xi32, #tpu.memory_space<hbm>>) dst(%arg5 : memref<512xi32, #tpu.memory_space<vmem>>)
      tpu.yield
    }) : () -> ()
    %dma_start3A = arith.constant 0 : i32
    %dma_start3A_3 = arith.constant 0 : i32
    %dma_start3A_4 = tpu.memref_slice %arg6[%dma_start3A, %dma_start3A_3] : memref<512x128xf32, #tpu.memory_space<vmem>> -> memref<128x128xf32, #tpu.memory_space<vmem>>
    %dma_start3A_5 = arith.constant 0 : i32
    %dma_start3A_6 = tpu.memref_slice %arg5[%dma_start3A_5] : memref<512xi32, #tpu.memory_space<vmem>> -> memref<128xi32, #tpu.memory_space<vmem>>
    %dma_start3A_7 = arith.constant 0 : i32
    %dma_start3A_8 = arith.constant 0 : i32
    %dma_start3A_9 = tpu.memref_slice %arg2[%dma_start3A_7, %dma_start3A_8] : memref<1024x128xf32, #tpu.memory_space<hbm>> -> memref<1024x128xf32, #tpu.memory_space<hbm>>
    tpu.enqueue_indirect_dma source(%dma_start3A_9 : memref<1024x128xf32, #tpu.memory_space<hbm>>) target(%dma_start3A_4 : memref<128x128xf32, #tpu.memory_space<vmem>>) offsets(%dma_start3A_6 : memref<128xi32, #tpu.memory_space<vmem>>) semaphore(%arg7 : memref<!tpu.dma_semaphore, #tpu.memory_space<semaphore_mem>>)
    %dma_start3A_10 = arith.constant 128 : i32
    %dma_start3A_11 = arith.constant 0 : i32
    %dma_start3A_12 = tpu.memref_slice %arg6[%dma_start3A_10, %dma_start3A_11] : memref<512x128xf32, #tpu.memory_space<vmem>> -> memref<128x128xf32, #tpu.memory_space<vmem>>
    %dma_start3A_13 = arith.constant 128 : i32
    %dma_start3A_14 = tpu.memref_slice %arg5[%dma_start3A_13] : memref<512xi32, #tpu.memory_space<vmem>> -> memref<128xi32, #tpu.memory_space<vmem>>
    %dma_start3A_15 = arith.constant 0 : i32
    %dma_start3A_16 = arith.constant 0 : i32
    %dma_start3A_17 = tpu.memref_slice %arg2[%dma_start3A_15, %dma_start3A_16] : memref<1024x128xf32, #tpu.memory_space<hbm>> -> memref<1024x128xf32, #tpu.memory_space<hbm>>
    tpu.enqueue_indirect_dma source(%dma_start3A_17 : memref<1024x128xf32, #tpu.memory_space<hbm>>) target(%dma_start3A_12 : memref<128x128xf32, #tpu.memory_space<vmem>>) offsets(%dma_start3A_14 : memref<128xi32, #tpu.memory_space<vmem>>) semaphore(%arg7 : memref<!tpu.dma_semaphore, #tpu.memory_space<semaphore_mem>>)
    %dma_start3A_18 = arith.constant 256 : i32
    %dma_start3A_19 = arith.constant 0 : i32
    %dma_start3A_20 = tpu.memref_slice %arg6[%dma_start3A_18, %dma_start3A_19] : memref<512x128xf32, #tpu.memory_space<vmem>> -> memref<128x128xf32, #tpu.memory_space<vmem>>
    %dma_start3A_21 = arith.constant 256 : i32
    %dma_start3A_22 = tpu.memref_slice %arg5[%dma_start3A_21] : memref<512xi32, #tpu.memory_space<vmem>> -> memref<128xi32, #tpu.memory_space<vmem>>
    %dma_start3A_23 = arith.constant 0 : i32
    %dma_start3A_24 = arith.constant 0 : i32
    %dma_start3A_25 = tpu.memref_slice %arg2[%dma_start3A_23, %dma_start3A_24] : memref<1024x128xf32, #tpu.memory_space<hbm>> -> memref<1024x128xf32, #tpu.memory_space<hbm>>
    tpu.enqueue_indirect_dma source(%dma_start3A_25 : memref<1024x128xf32, #tpu.memory_space<hbm>>) target(%dma_start3A_20 : memref<128x128xf32, #tpu.memory_space<vmem>>) offsets(%dma_start3A_22 : memref<128xi32, #tpu.memory_space<vmem>>) semaphore(%arg7 : memref<!tpu.dma_semaphore, #tpu.memory_space<semaphore_mem>>)
    %dma_start3A_26 = arith.constant 384 : i32
    %dma_start3A_27 = arith.constant 0 : i32
    %dma_start3A_28 = tpu.memref_slice %arg6[%dma_start3A_26, %dma_start3A_27] : memref<512x128xf32, #tpu.memory_space<vmem>> -> memref<128x128xf32, #tpu.memory_space<vmem>>
    %dma_start3A_29 = arith.constant 384 : i32
    %dma_start3A_30 = tpu.memref_slice %arg5[%dma_start3A_29] : memref<512xi32, #tpu.memory_space<vmem>> -> memref<128xi32, #tpu.memory_space<vmem>>
    %dma_start3A_31 = arith.constant 0 : i32
    %dma_start3A_32 = arith.constant 0 : i32
    %dma_start3A_33 = tpu.memref_slice %arg2[%dma_start3A_31, %dma_start3A_32] : memref<1024x128xf32, #tpu.memory_space<hbm>> -> memref<1024x128xf32, #tpu.memory_space<hbm>>
    tpu.enqueue_indirect_dma source(%dma_start3A_33 : memref<1024x128xf32, #tpu.memory_space<hbm>>) target(%dma_start3A_28 : memref<128x128xf32, #tpu.memory_space<vmem>>) offsets(%dma_start3A_30 : memref<128xi32, #tpu.memory_space<vmem>>) semaphore(%arg7 : memref<!tpu.dma_semaphore, #tpu.memory_space<semaphore_mem>>)
    %dma_wait3A = arith.constant 0 : i32
    %dma_wait3A_34 = arith.constant 0 : i32
    %dma_wait3A_35 = tpu.memref_slice %arg6[%dma_wait3A, %dma_wait3A_34] : memref<512x128xf32, #tpu.memory_space<vmem>> -> memref<128x128xf32, #tpu.memory_space<vmem>>
    %dma_wait3A_36 = arith.constant 0 : i32
    %dma_wait3A_37 = tpu.memref_slice %arg5[%dma_wait3A_36] : memref<512xi32, #tpu.memory_space<vmem>> -> memref<128xi32, #tpu.memory_space<vmem>>
    %dma_wait3A_38 = arith.constant 0 : i32
    %dma_wait3A_39 = arith.constant 0 : i32
    %dma_wait3A_40 = tpu.memref_slice %arg2[%dma_wait3A_38, %dma_wait3A_39] : memref<1024x128xf32, #tpu.memory_space<hbm>> -> memref<1024x128xf32, #tpu.memory_space<hbm>>
    tpu.wait_indirect_dma semaphore(%arg7 : memref<!tpu.dma_semaphore, #tpu.memory_space<semaphore_mem>>) src(%dma_wait3A_40 : memref<1024x128xf32, #tpu.memory_space<hbm>>) dst(%dma_wait3A_35 : memref<128x128xf32, #tpu.memory_space<vmem>>)
    %dma_wait3A_41 = arith.constant 128 : i32
    %dma_wait3A_42 = arith.constant 0 : i32
    %dma_wait3A_43 = tpu.memref_slice %arg6[%dma_wait3A_41, %dma_wait3A_42] : memref<512x128xf32, #tpu.memory_space<vmem>> -> memref<128x128xf32, #tpu.memory_space<vmem>>
    %dma_wait3A_44 = arith.constant 128 : i32
    %dma_wait3A_45 = tpu.memref_slice %arg5[%dma_wait3A_44] : memref<512xi32, #tpu.memory_space<vmem>> -> memref<128xi32, #tpu.memory_space<vmem>>
    %dma_wait3A_46 = arith.constant 0 : i32
    %dma_wait3A_47 = arith.constant 0 : i32
    %dma_wait3A_48 = tpu.memref_slice %arg2[%dma_wait3A_46, %dma_wait3A_47] : memref<1024x128xf32, #tpu.memory_space<hbm>> -> memref<1024x128xf32, #tpu.memory_space<hbm>>
    tpu.wait_indirect_dma semaphore(%arg7 : memref<!tpu.dma_semaphore, #tpu.memory_space<semaphore_mem>>) src(%dma_wait3A_48 : memref<1024x128xf32, #tpu.memory_space<hbm>>) dst(%dma_wait3A_43 : memref<128x128xf32, #tpu.memory_space<vmem>>)
    %dma_wait3A_49 = arith.constant 256 : i32
    %dma_wait3A_50 = arith.constant 0 : i32
    %dma_wait3A_51 = tpu.memref_slice %arg6[%dma_wait3A_49, %dma_wait3A_50] : memref<512x128xf32, #tpu.memory_space<vmem>> -> memref<128x128xf32, #tpu.memory_space<vmem>>
    %dma_wait3A_52 = arith.constant 256 : i32
    %dma_wait3A_53 = tpu.memref_slice %arg5[%dma_wait3A_52] : memref<512xi32, #tpu.memory_space<vmem>> -> memref<128xi32, #tpu.memory_space<vmem>>
    %dma_wait3A_54 = arith.constant 0 : i32
    %dma_wait3A_55 = arith.constant 0 : i32
    %dma_wait3A_56 = tpu.memref_slice %arg2[%dma_wait3A_54, %dma_wait3A_55] : memref<1024x128xf32, #tpu.memory_space<hbm>> -> memref<1024x128xf32, #tpu.memory_space<hbm>>
    tpu.wait_indirect_dma semaphore(%arg7 : memref<!tpu.dma_semaphore, #tpu.memory_space<semaphore_mem>>) src(%dma_wait3A_56 : memref<1024x128xf32, #tpu.memory_space<hbm>>) dst(%dma_wait3A_51 : memref<128x128xf32, #tpu.memory_space<vmem>>)
    %dma_wait3A_57 = arith.constant 384 : i32
    %dma_wait3A_58 = arith.constant 0 : i32
    %dma_wait3A_59 = tpu.memref_slice %arg6[%dma_wait3A_57, %dma_wait3A_58] : memref<512x128xf32, #tpu.memory_space<vmem>> -> memref<128x128xf32, #tpu.memory_space<vmem>>
    %dma_wait3A_60 = arith.constant 384 : i32
    %dma_wait3A_61 = tpu.memref_slice %arg5[%dma_wait3A_60] : memref<512xi32, #tpu.memory_space<vmem>> -> memref<128xi32, #tpu.memory_space<vmem>>
    %dma_wait3A_62 = arith.constant 0 : i32
    %dma_wait3A_63 = arith.constant 0 : i32
    %dma_wait3A_64 = tpu.memref_slice %arg2[%dma_wait3A_62, %dma_wait3A_63] : memref<1024x128xf32, #tpu.memory_space<hbm>> -> memref<1024x128xf32, #tpu.memory_space<hbm>>
    tpu.wait_indirect_dma semaphore(%arg7 : memref<!tpu.dma_semaphore, #tpu.memory_space<semaphore_mem>>) src(%dma_wait3A_64 : memref<1024x128xf32, #tpu.memory_space<hbm>>) dst(%dma_wait3A_59 : memref<128x128xf32, #tpu.memory_space<vmem>>)
    "tpu.region"() ({
      %run_scoped3A = tpu.sem_alloc : memref<!tpu.dma_semaphore, #tpu.memory_space<semaphore_mem>>
      %dma_start3A_65 = arith.constant 0 : i32
      %dma_start3A_66 = tpu.memref_slice %arg4[%mul3A_2, %dma_start3A_65] : memref<16384x128xf32, #tpu.memory_space<hbm>> -> memref<512x128xf32, #tpu.memory_space<hbm>>
      %dma_start3A_67 = arith.constant 0 : i32
      %dma_start3A_68 = tpu.memref_slice %arg4[%mul3A_2, %dma_start3A_67] : memref<16384x128xf32, #tpu.memory_space<hbm>> -> memref<512x128xf32, #tpu.memory_space<hbm>>
      tpu.enqueue_dma source(%arg6 : memref<512x128xf32, #tpu.memory_space<vmem>>) target(%dma_start3A_68 : memref<512x128xf32, #tpu.memory_space<hbm>>) target_semaphore(%run_scoped3A : memref<!tpu.dma_semaphore, #tpu.memory_space<semaphore_mem>>)
      %dma_wait3A_69 = arith.constant 0 : i32
      %dma_wait3A_70 = tpu.memref_slice %arg4[%mul3A_2, %dma_wait3A_69] : memref<16384x128xf32, #tpu.memory_space<hbm>> -> memref<512x128xf32, #tpu.memory_space<hbm>>
      %dma_wait3A_71 = arith.constant 0 : i32
      %dma_wait3A_72 = tpu.memref_slice %arg4[%mul3A_2, %dma_wait3A_71] : memref<16384x128xf32, #tpu.memory_space<hbm>> -> memref<512x128xf32, #tpu.memory_space<hbm>>
      tpu.wait_dma2 semaphore(%run_scoped3A : memref<!tpu.dma_semaphore, #tpu.memory_space<semaphore_mem>>) src(%arg6 : memref<512x128xf32, #tpu.memory_space<vmem>>) dst(%dma_wait3A_72 : memref<512x128xf32, #tpu.memory_space<hbm>>)
      tpu.yield
    }) : () -> ()
    return
  }
}

module attributes {stable_mosaic.version = 14 : i64} {
  func.func @_schedule_body(%arg0: memref<1024x1xf32, #tpu.memory_space<vmem>>, %arg1: memref<1024x128xf32, #tpu.memory_space<vmem>>) attributes {dimension_semantics = [], scalar_prefetch = 0 : i64, scratch_operands = 0 : i64, tpu.core_type = #tpu.core_type<tc>} {
    %get3A = arith.constant 0 : index
    %get3A_0 = arith.constant 0 : index
    %get3A_1 = vector.load %arg0[%get3A, %get3A_0] : memref<1024x1xf32, #tpu.memory_space<vmem>>, vector<1024x1xf32>
    %sub3A = arith.constant 1.000000e+00 : f32
    %sub3A_2 = vector.broadcast %sub3A : f32 to vector<1024x1xf32>
    %sub3A_3 = arith.subf %sub3A_2, %get3A_1 : vector<1024x1xf32>
    %log3A = math.log %sub3A_3 : vector<1024x1xf32>
    %iota3A = tpu.iota {dimensions = array<i32: 0>} : vector<1024x1024xi32>
    %iota3A_4 = tpu.iota {dimensions = array<i32: 1>} : vector<1024x1024xi32>
    %le3A = arith.cmpi sle, %iota3A_4, %iota3A : vector<1024x1024xi32>
    %convert_element_type3A = arith.extui %le3A : vector<1024x1024xi1> to vector<1024x1024xi32>
    %convert_element_type3A_5 = arith.sitofp %convert_element_type3A : vector<1024x1024xi32> to vector<1024x1024xf32>
    %dot_general3A = arith.constant dense<0.000000e+00> : vector<1024x1xf32>
    %dot_general3A_6 = tpu.matmul %convert_element_type3A_5, %log3A, %dot_general3A {dimension_numbers = #tpu.dot_dimension_numbers<[1], [0], [0], [1], [0, 0, 1, 1], [], []>, transpose_lhs_hint = false} : vector<1024x1024xf32>, vector<1024x1xf32>, vector<1024x1xf32> -> vector<1024x1xf32>
    %sub3A_7 = arith.subf %dot_general3A_6, %log3A : vector<1024x1xf32>
    %exp3A = math.exp %dot_general3A_6 : vector<1024x1xf32>
    %sub3A_8 = arith.constant 1.000000e+00 : f32
    %sub3A_9 = vector.broadcast %sub3A_8 : f32 to vector<1024x1xf32>
    %sub3A_10 = arith.subf %sub3A_9, %exp3A : vector<1024x1xf32>
    %exp3A_11 = math.exp %sub3A_7 : vector<1024x1xf32>
    %sub3A_12 = arith.constant 1.000000e+00 : f32
    %sub3A_13 = vector.broadcast %sub3A_12 : f32 to vector<1024x1xf32>
    %sub3A_14 = arith.subf %sub3A_13, %exp3A_11 : vector<1024x1xf32>
    %sqrt3A = math.sqrt %exp3A : vector<1024x1xf32>
    %sqrt3A_15 = math.sqrt %sub3A_10 : vector<1024x1xf32>
    %sqrt3A_16 = math.sqrt %exp3A_11 : vector<1024x1xf32>
    %mul3A = arith.mulf %get3A_1, %sqrt3A_16 : vector<1024x1xf32>
    %div3A = arith.divf %mul3A, %sub3A_10 : vector<1024x1xf32>
    %sqrt3A_17 = math.sqrt %sub3A_3 : vector<1024x1xf32>
    %mul3A_18 = arith.mulf %sub3A_14, %sqrt3A_17 : vector<1024x1xf32>
    %div3A_19 = arith.divf %mul3A_18, %sub3A_10 : vector<1024x1xf32>
    %mul3A_20 = arith.mulf %get3A_1, %sub3A_14 : vector<1024x1xf32>
    %div3A_21 = arith.divf %mul3A_20, %sub3A_10 : vector<1024x1xf32>
    %sqrt3A_22 = math.sqrt %div3A_21 : vector<1024x1xf32>
    %log3A_23 = math.log %sub3A_14 : vector<1024x1xf32>
    %max3A = arith.constant -1.000000e+30 : f32
    %max3A_24 = vector.broadcast %max3A : f32 to vector<1024x1xf32>
    %max3A_25 = arith.maximumf %log3A_23, %max3A_24 : vector<1024x1xf32>
    %log3A_26 = math.log %get3A_1 : vector<1024x1xf32>
    %broadcast_in_dim3A = arith.constant 0.000000e+00 : f32
    %broadcast_in_dim3A_27 = vector.broadcast %broadcast_in_dim3A : f32 to vector<1024x119xf32>
    %concatenate3A = tpu.concatenate %sqrt3A, %sqrt3A_15, %div3A, %div3A_19, %sqrt3A_22, %log3A, %log3A_26, %sub3A_7, %max3A_25, %broadcast_in_dim3A_27 in 1 : vector<1024x1xf32>, vector<1024x1xf32>, vector<1024x1xf32>, vector<1024x1xf32>, vector<1024x1xf32>, vector<1024x1xf32>, vector<1024x1xf32>, vector<1024x1xf32>, vector<1024x1xf32>, vector<1024x119xf32> -> vector<1024x128xf32>
    %swap3A = arith.constant 0 : index
    %swap3A_28 = arith.constant 0 : index
    %swap3A_29 = vector.load %arg1[%swap3A, %swap3A_28] : memref<1024x128xf32, #tpu.memory_space<vmem>>, vector<1024x128xf32>
    tpu.vector_store %arg1[%swap3A, %swap3A_28], %concatenate3A {strides = array<i32>} : memref<1024x128xf32, #tpu.memory_space<vmem>>, vector<1024x128xf32>,
    return
  }
}

module attributes {stable_mosaic.version = 14 : i64} {
  func.func @_main_body(%arg0: i32, %arg1: memref<512x16xf32, #tpu.memory_space<vmem>>, %arg2: memref<512x16xf32, #tpu.memory_space<vmem>>, %arg3: memref<512x16xf32, #tpu.memory_space<vmem>>, %arg4: memref<512x832xf32, #tpu.memory_space<vmem>>, %arg5: memref<512x832xf32, #tpu.memory_space<vmem>>, %arg6: memref<512x26xi32, #tpu.memory_space<vmem>>, %arg7: memref<512x128xf32, #tpu.memory_space<vmem>>, %arg8: memref<512x848xf32, #tpu.memory_space<vmem>>, %arg9: memref<512x832xf32, #tpu.memory_space<vmem>>) attributes {dimension_semantics = [#tpu.dimension_semantics<arbitrary>], iteration_bounds = array<i64: 32>, scalar_prefetch = 0 : i64, scratch_operands = 0 : i64, tpu.core_type = #tpu.core_type<tc>, window_params = [{transform_indices = @transform_0, window_bounds = array<i64: 512, 16>}, {transform_indices = @transform_1, window_bounds = array<i64: 512, 16>}, {transform_indices = @transform_2, window_bounds = array<i64: 512, 16>}, {transform_indices = @transform_3, window_bounds = array<i64: 512, 832>}, {transform_indices = @transform_4, window_bounds = array<i64: 512, 832>}, {transform_indices = @transform_5, window_bounds = array<i64: 512, 26>}, {transform_indices = @transform_6, window_bounds = array<i64: 512, 128>}, {transform_indices = @transform_7, window_bounds = array<i64: 512, 848>}, {transform_indices = @transform_8, window_bounds = array<i64: 512, 832>}]} {
    %get3A = arith.constant 0 : index
    %get3A_0 = arith.constant 0 : index
    %get3A_1 = vector.load %arg7[%get3A, %get3A_0] : memref<512x128xf32, #tpu.memory_space<vmem>>, vector<512x128xf32>
    %slice3A = vector.extract_strided_slice %get3A_1 {offsets = [0, 0], sizes = [512, 1], strides = [1, 1]} : vector<512x128xf32> to vector<512x1xf32>
    %slice3A_2 = vector.extract_strided_slice %get3A_1 {offsets = [0, 1], sizes = [512, 1], strides = [1, 1]} : vector<512x128xf32> to vector<512x1xf32>
    %slice3A_3 = vector.extract_strided_slice %get3A_1 {offsets = [0, 2], sizes = [512, 1], strides = [1, 1]} : vector<512x128xf32> to vector<512x1xf32>
    %slice3A_4 = vector.extract_strided_slice %get3A_1 {offsets = [0, 3], sizes = [512, 1], strides = [1, 1]} : vector<512x128xf32> to vector<512x1xf32>
    %slice3A_5 = vector.extract_strided_slice %get3A_1 {offsets = [0, 4], sizes = [512, 1], strides = [1, 1]} : vector<512x128xf32> to vector<512x1xf32>
    %slice3A_6 = vector.extract_strided_slice %get3A_1 {offsets = [0, 5], sizes = [512, 1], strides = [1, 1]} : vector<512x128xf32> to vector<512x1xf32>
    %slice3A_7 = vector.extract_strided_slice %get3A_1 {offsets = [0, 6], sizes = [512, 1], strides = [1, 1]} : vector<512x128xf32> to vector<512x1xf32>
    %slice3A_8 = vector.extract_strided_slice %get3A_1 {offsets = [0, 7], sizes = [512, 1], strides = [1, 1]} : vector<512x128xf32> to vector<512x1xf32>
    %slice3A_9 = vector.extract_strided_slice %get3A_1 {offsets = [0, 8], sizes = [512, 1], strides = [1, 1]} : vector<512x128xf32> to vector<512x1xf32>
    %get3A_10 = arith.constant 0 : index
    %get3A_11 = arith.constant 0 : index
    %get3A_12 = vector.load %arg1[%get3A_10, %get3A_11] : memref<512x16xf32, #tpu.memory_space<vmem>>, vector<512x16xf32>
    %get3A_13 = arith.constant 0 : index
    %get3A_14 = arith.constant 0 : index
    %get3A_15 = vector.load %arg2[%get3A_13, %get3A_14] : memref<512x16xf32, #tpu.memory_space<vmem>>, vector<512x16xf32>
    %mul3A = vector.broadcast %slice3A_2 : vector<512x1xf32> to vector<512x16xf32>
    %mul3A_16 = arith.mulf %mul3A, %get3A_15 : vector<512x16xf32>
    %sub3A = arith.subf %get3A_12, %mul3A_16 : vector<512x16xf32>
    %div3A = vector.broadcast %slice3A : vector<512x1xf32> to vector<512x16xf32>
    %div3A_17 = arith.divf %sub3A, %div3A : vector<512x16xf32>
    %mul3A_18 = vector.broadcast %slice3A_3 : vector<512x1xf32> to vector<512x16xf32>
    %mul3A_19 = arith.mulf %mul3A_18, %div3A_17 : vector<512x16xf32>
    %mul3A_20 = vector.broadcast %slice3A_4 : vector<512x1xf32> to vector<512x16xf32>
    %mul3A_21 = arith.mulf %mul3A_20, %get3A_12 : vector<512x16xf32>
    %add3A = arith.addf %mul3A_19, %mul3A_21 : vector<512x16xf32>
    %get3A_22 = arith.constant 0 : index
    %get3A_23 = arith.constant 0 : index
    %get3A_24 = vector.load %arg3[%get3A_22, %get3A_23] : memref<512x16xf32, #tpu.memory_space<vmem>>, vector<512x16xf32>
    %mul3A_25 = vector.broadcast %slice3A_5 : vector<512x1xf32> to vector<512x16xf32>
    %mul3A_26 = arith.mulf %mul3A_25, %get3A_24 : vector<512x16xf32>
    %add3A_27 = arith.addf %add3A, %mul3A_26 : vector<512x16xf32>
    %iota3A = tpu.iota {dimensions = array<i32: 0>} : vector<26x832xi32>
    %iota3A_28 = tpu.iota {dimensions = array<i32: 1>} : vector<26x832xi32>
    %jit3A = arith.constant 32 : i32
    %div3A_29 = vector.broadcast %jit3A : i32 to vector<26x832xi32>
    %div3A_30 = arith.divsi %iota3A_28, %div3A_29 : vector<26x832xi32>
    %sign3A = arith.constant 0 : i32
    %sign3A_31 = vector.broadcast %sign3A : i32 to vector<26x832xi32>
    %sign3A_32 = arith.cmpi sgt, %iota3A_28, %sign3A_31 : vector<26x832xi32>
    %sign3A_33 = arith.extui %sign3A_32 : vector<26x832xi1> to vector<26x832xi32>
    %sign3A_34 = arith.constant 0 : i32
    %sign3A_35 = vector.broadcast %sign3A_34 : i32 to vector<26x832xi32>
    %sign3A_36 = arith.cmpi slt, %iota3A_28, %sign3A_35 : vector<26x832xi32>
    %sign3A_37 = arith.extui %sign3A_36 : vector<26x832xi1> to vector<26x832xi32>
    %sign3A_38 = arith.subi %sign3A_33, %sign3A_37 : vector<26x832xi32>
    %sign3A_39 = arith.constant 0 : i32
    %sign3A_40 = arith.cmpi sgt, %jit3A, %sign3A_39 : i32
    %sign3A_41 = arith.extui %sign3A_40 : i1 to i32
    %sign3A_42 = arith.constant 0 : i32
    %sign3A_43 = arith.cmpi slt, %jit3A, %sign3A_42 : i32
    %sign3A_44 = arith.extui %sign3A_43 : i1 to i32
    %sign3A_45 = arith.subi %sign3A_41, %sign3A_44 : i32
    %ne3A = vector.broadcast %sign3A_45 : i32 to vector<26x832xi32>
    %ne3A_46 = arith.cmpi ne, %sign3A_38, %ne3A : vector<26x832xi32>
    %rem3A = vector.broadcast %jit3A : i32 to vector<26x832xi32>
    %rem3A_47 = arith.remsi %iota3A_28, %rem3A : vector<26x832xi32>
    %ne3A_48 = arith.constant 0 : i32
    %ne3A_49 = vector.broadcast %ne3A_48 : i32 to vector<26x832xi32>
    %ne3A_50 = arith.cmpi ne, %rem3A_47, %ne3A_49 : vector<26x832xi32>
    %and3A = arith.andi %ne3A_46, %ne3A_50 : vector<26x832xi1>
    %sub3A_51 = arith.constant 1 : i32
    %sub3A_52 = vector.broadcast %sub3A_51 : i32 to vector<26x832xi32>
    %sub3A_53 = arith.subi %div3A_30, %sub3A_52 : vector<26x832xi32>
    %select_n3A = arith.select %and3A, %sub3A_53, %div3A_30 : vector<26x832xi1>, vector<26x832xi32>
    %eq3A = arith.cmpi eq, %iota3A, %select_n3A : vector<26x832xi32>
    %convert_element_type3A = arith.extui %eq3A : vector<26x832xi1> to vector<26x832xi32>
    %convert_element_type3A_54 = arith.sitofp %convert_element_type3A : vector<26x832xi32> to vector<26x832xf32>
    %iota3A_55 = tpu.iota {dimensions = array<i32: 0>} : vector<832x26xi32>
    %jit3A_56 = arith.constant 32 : i32
    %div3A_57 = vector.broadcast %jit3A_56 : i32 to vector<832x26xi32>
    %div3A_58 = arith.divsi %iota3A_55, %div3A_57 : vector<832x26xi32>
    %sign3A_59 = arith.constant 0 : i32
    %sign3A_60 = vector.broadcast %sign3A_59 : i32 to vector<832x26xi32>
    %sign3A_61 = arith.cmpi sgt, %iota3A_55, %sign3A_60 : vector<832x26xi32>
    %sign3A_62 = arith.extui %sign3A_61 : vector<832x26xi1> to vector<832x26xi32>
    %sign3A_63 = arith.constant 0 : i32
    %sign3A_64 = vector.broadcast %sign3A_63 : i32 to vector<832x26xi32>
    %sign3A_65 = arith.cmpi slt, %iota3A_55, %sign3A_64 : vector<832x26xi32>
    %sign3A_66 = arith.extui %sign3A_65 : vector<832x26xi1> to vector<832x26xi32>
    %sign3A_67 = arith.subi %sign3A_62, %sign3A_66 : vector<832x26xi32>
    %sign3A_68 = arith.constant 0 : i32
    %sign3A_69 = arith.cmpi sgt, %jit3A_56, %sign3A_68 : i32
    %sign3A_70 = arith.extui %sign3A_69 : i1 to i32
    %sign3A_71 = arith.constant 0 : i32
    %sign3A_72 = arith.cmpi slt, %jit3A_56, %sign3A_71 : i32
    %sign3A_73 = arith.extui %sign3A_72 : i1 to i32
    %sign3A_74 = arith.subi %sign3A_70, %sign3A_73 : i32
    %ne3A_75 = vector.broadcast %sign3A_74 : i32 to vector<832x26xi32>
    %ne3A_76 = arith.cmpi ne, %sign3A_67, %ne3A_75 : vector<832x26xi32>
    %rem3A_77 = vector.broadcast %jit3A_56 : i32 to vector<832x26xi32>
    %rem3A_78 = arith.remsi %iota3A_55, %rem3A_77 : vector<832x26xi32>
    %ne3A_79 = arith.constant 0 : i32
    %ne3A_80 = vector.broadcast %ne3A_79 : i32 to vector<832x26xi32>
    %ne3A_81 = arith.cmpi ne, %rem3A_78, %ne3A_80 : vector<832x26xi32>
    %and3A_82 = arith.andi %ne3A_76, %ne3A_81 : vector<832x26xi1>
    %sub3A_83 = arith.constant 1 : i32
    %sub3A_84 = vector.broadcast %sub3A_83 : i32 to vector<832x26xi32>
    %sub3A_85 = arith.subi %div3A_58, %sub3A_84 : vector<832x26xi32>
    %select_n3A_86 = arith.select %and3A_82, %sub3A_85, %div3A_58 : vector<832x26xi1>, vector<832x26xi32>
    %iota3A_87 = tpu.iota {dimensions = array<i32: 1>} : vector<832x26xi32>
    %eq3A_88 = arith.cmpi eq, %select_n3A_86, %iota3A_87 : vector<832x26xi32>
    %convert_element_type3A_89 = arith.extui %eq3A_88 : vector<832x26xi1> to vector<832x26xi32>
    %convert_element_type3A_90 = arith.sitofp %convert_element_type3A_89 : vector<832x26xi32> to vector<832x26xf32>
    %get3A_91 = arith.constant 0 : index
    %get3A_92 = arith.constant 0 : index
    %get3A_93 = vector.load %arg4[%get3A_91, %get3A_92] : memref<512x832xf32, #tpu.memory_space<vmem>>, vector<512x832xf32>
    %exp3A = math.exp %get3A_93 : vector<512x832xf32>
    %dot_general3A = arith.constant dense<0.000000e+00> : vector<512x26xf32>
    %dot_general3A_94 = tpu.matmul %exp3A, %convert_element_type3A_90, %dot_general3A {dimension_numbers = #tpu.dot_dimension_numbers<[1], [0], [0], [1], [0, 0, 1, 1], [], []>, transpose_lhs_hint = false} : vector<512x832xf32>, vector<832x26xf32>, vector<512x26xf32> -> vector<512x26xf32>
    %log3A = math.log %dot_general3A_94 : vector<512x26xf32>
    %dot_general3A_95 = arith.constant dense<0.000000e+00> : vector<512x832xf32>
    %dot_general3A_96 = tpu.matmul %log3A, %convert_element_type3A_54, %dot_general3A_95 {dimension_numbers = #tpu.dot_dimension_numbers<[1], [0], [0], [1], [0, 0, 1, 1], [], []>, transpose_lhs_hint = false} : vector<512x26xf32>, vector<26x832xf32>, vector<512x832xf32> -> vector<512x832xf32>
    %sub3A_97 = arith.subf %get3A_93, %dot_general3A_96 : vector<512x832xf32>
    %add3A_98 = vector.broadcast %slice3A_8 : vector<512x1xf32> to vector<512x832xf32>
    %add3A_99 = arith.addf %sub3A_97, %add3A_98 : vector<512x832xf32>
    %sub3A_100 = arith.constant 3.46573591 : f32
    %sub3A_101 = vector.broadcast %sub3A_100 : f32 to vector<512x1xf32>
    %sub3A_102 = arith.subf %slice3A_9, %sub3A_101 : vector<512x1xf32>
    %max3A = vector.broadcast %sub3A_102 : vector<512x1xf32> to vector<512x832xf32>
    %max3A_103 = arith.maximumf %add3A_99, %max3A : vector<512x832xf32>
    %sub3A_104 = arith.subf %add3A_99, %max3A_103 : vector<512x832xf32>
    %exp3A_105 = math.exp %sub3A_104 : vector<512x832xf32>
    %sub3A_106 = vector.broadcast %sub3A_102 : vector<512x1xf32> to vector<512x832xf32>
    %sub3A_107 = arith.subf %sub3A_106, %max3A_103 : vector<512x832xf32>
    %exp3A_108 = math.exp %sub3A_107 : vector<512x832xf32>
    %add3A_109 = arith.addf %exp3A_105, %exp3A_108 : vector<512x832xf32>
    %log3A_110 = math.log %add3A_109 : vector<512x832xf32>
    %add3A_111 = arith.addf %max3A_103, %log3A_110 : vector<512x832xf32>
    %get3A_112 = arith.constant 0 : index
    %get3A_113 = arith.constant 0 : index
    %get3A_114 = vector.load %arg6[%get3A_112, %get3A_113] : memref<512x26xi32, #tpu.memory_space<vmem>>, vector<512x26xi32>
    %convert_element_type3A_115 = arith.sitofp %get3A_114 : vector<512x26xi32> to vector<512x26xf32>
    %dot_general3A_116 = arith.constant dense<0.000000e+00> : vector<512x832xf32>
    %dot_general3A_117 = tpu.matmul %convert_element_type3A_115, %convert_element_type3A_54, %dot_general3A_116 {dimension_numbers = #tpu.dot_dimension_numbers<[1], [0], [0], [1], [0, 0, 1, 1], [], []>, transpose_lhs_hint = false} : vector<512x26xf32>, vector<26x832xf32>, vector<512x832xf32> -> vector<512x832xf32>
    %iota3A_118 = tpu.iota {dimensions = array<i32: 1>} : vector<512x832xi32>
    %jit3A_119 = arith.constant 32 : i32
    %eq3A_120 = arith.constant 0 : i32
    %eq3A_121 = arith.cmpi eq, %jit3A_119, %eq3A_120 : i32
    %jit3A_122 = arith.constant 1 : i32
    %select_n3A_123 = arith.select %eq3A_121, %jit3A_122, %jit3A_119 : i32
    %rem3A_124 = vector.broadcast %select_n3A_123 : i32 to vector<512x832xi32>
    %rem3A_125 = arith.remsi %iota3A_118, %rem3A_124 : vector<512x832xi32>
    %ne3A_126 = arith.constant 0 : i32
    %ne3A_127 = vector.broadcast %ne3A_126 : i32 to vector<512x832xi32>
    %ne3A_128 = arith.cmpi ne, %rem3A_125, %ne3A_127 : vector<512x832xi32>
    %lt3A = arith.constant 0 : i32
    %lt3A_129 = vector.broadcast %lt3A : i32 to vector<512x832xi32>
    %lt3A_130 = arith.cmpi slt, %rem3A_125, %lt3A_129 : vector<512x832xi32>
    %lt3A_131 = arith.constant 0 : i32
    %lt3A_132 = arith.cmpi slt, %select_n3A_123, %lt3A_131 : i32
    %ne3A_133 = vector.broadcast %lt3A_132 : i1 to vector<512x832xi1>
    %ne3A_134 = vector.broadcast %ne3A_133 : vector<512x832xi1> to vector<512x832xi1>
    %ne3A_135 = arith.xori %lt3A_130, %ne3A_134 : vector<512x832xi1>
    %and3A_136 = arith.andi %ne3A_135, %ne3A_128 : vector<512x832xi1>
    %add3A_137 = vector.broadcast %select_n3A_123 : i32 to vector<512x832xi32>
    %add3A_138 = arith.addi %rem3A_125, %add3A_137 : vector<512x832xi32>
    %select_n3A_139 = arith.select %and3A_136, %add3A_138, %rem3A_125 : vector<512x832xi1>, vector<512x832xi32>
    %convert_element_type3A_140 = arith.sitofp %select_n3A_139 : vector<512x832xi32> to vector<512x832xf32>
    %sub3A_141 = arith.subf %dot_general3A_117, %convert_element_type3A_140 : vector<512x832xf32>
    %abs3A = math.absf %sub3A_141 : vector<512x832xf32>
    %lt3A_142 = arith.constant 5.000000e-01 : f32
    %lt3A_143 = vector.broadcast %lt3A_142 : f32 to vector<512x832xf32>
    %lt3A_144 = arith.cmpf olt, %abs3A, %lt3A_143 : vector<512x832xf32>
    %sub3A_145 = arith.constant 3.46573591 : f32
    %sub3A_146 = vector.broadcast %sub3A_145 : f32 to vector<512x1xf32>
    %sub3A_147 = arith.subf %slice3A_7, %sub3A_146 : vector<512x1xf32>
    %max3A_148 = arith.maximumf %slice3A_6, %sub3A_147 : vector<512x1xf32>
    %sub3A_149 = arith.subf %slice3A_6, %max3A_148 : vector<512x1xf32>
    %exp3A_150 = math.exp %sub3A_149 : vector<512x1xf32>
    %sub3A_151 = arith.subf %sub3A_147, %max3A_148 : vector<512x1xf32>
    %exp3A_152 = math.exp %sub3A_151 : vector<512x1xf32>
    %add3A_153 = arith.addf %exp3A_150, %exp3A_152 : vector<512x1xf32>
    %log3A_154 = math.log %add3A_153 : vector<512x1xf32>
    %add3A_155 = arith.addf %max3A_148, %log3A_154 : vector<512x1xf32>
    %broadcast_in_dim3A = vector.shape_cast %add3A_155 : vector<512x1xf32> to vector<512x1xf32>
    %broadcast_in_dim3A_156 = vector.broadcast %broadcast_in_dim3A : vector<512x1xf32> to vector<512x832xf32>
    %broadcast_in_dim3A_157 = vector.shape_cast %sub3A_147 : vector<512x1xf32> to vector<512x1xf32>
    %broadcast_in_dim3A_158 = vector.broadcast %broadcast_in_dim3A_157 : vector<512x1xf32> to vector<512x832xf32>
    %select_n3A_159 = arith.select %lt3A_144, %broadcast_in_dim3A_156, %broadcast_in_dim3A_158 : vector<512x832xi1>, vector<512x832xf32>
    %add3A_160 = arith.addf %add3A_111, %select_n3A_159 : vector<512x832xf32>
    %exp3A_161 = math.exp %add3A_160 : vector<512x832xf32>
    %dot_general3A_162 = arith.constant dense<0.000000e+00> : vector<512x26xf32>
    %dot_general3A_163 = tpu.matmul %exp3A_161, %convert_element_type3A_90, %dot_general3A_162 {dimension_numbers = #tpu.dot_dimension_numbers<[1], [0], [0], [1], [0, 0, 1, 1], [], []>, transpose_lhs_hint = false} : vector<512x832xf32>, vector<832x26xf32>, vector<512x26xf32> -> vector<512x26xf32>
    %log3A_164 = math.log %dot_general3A_163 : vector<512x26xf32>
    %dot_general3A_165 = arith.constant dense<0.000000e+00> : vector<512x832xf32>
    %dot_general3A_166 = tpu.matmul %log3A_164, %convert_element_type3A_54, %dot_general3A_165 {dimension_numbers = #tpu.dot_dimension_numbers<[1], [0], [0], [1], [0, 0, 1, 1], [], []>, transpose_lhs_hint = false} : vector<512x26xf32>, vector<26x832xf32>, vector<512x832xf32> -> vector<512x832xf32>
    %sub3A_167 = arith.subf %add3A_160, %dot_general3A_166 : vector<512x832xf32>
    %get3A_168 = arith.constant 0 : index
    %get3A_169 = arith.constant 0 : index
    %get3A_170 = vector.load %arg5[%get3A_168, %get3A_169] : memref<512x832xf32, #tpu.memory_space<vmem>>, vector<512x832xf32>
    %add3A_171 = arith.constant 1.000000e-30 : f32
    %add3A_172 = vector.broadcast %add3A_171 : f32 to vector<512x832xf32>
    %add3A_173 = arith.addf %get3A_170, %add3A_172 : vector<512x832xf32>
    %log3A_174 = math.log %add3A_173 : vector<512x832xf32>
    %sub3A_175 = arith.constant 1.000000e-30 : f32
    %sub3A_176 = vector.broadcast %sub3A_175 : f32 to vector<512x832xf32>
    %sub3A_177 = arith.subf %sub3A_176, %log3A_174 : vector<512x832xf32>
    %log3A_178 = math.log %sub3A_177 : vector<512x832xf32>
    %neg3A = arith.constant 0.000000e+00 : f32
    %neg3A_179 = vector.broadcast %neg3A : f32 to vector<512x832xf32>
    %neg3A_180 = arith.subf %neg3A_179, %log3A_178 : vector<512x832xf32>
    %add3A_181 = arith.addf %neg3A_180, %sub3A_167 : vector<512x832xf32>
    %iota3A_182 = tpu.iota {dimensions = array<i32: 1>} : vector<512x832xi32>
    %jit3A_183 = arith.constant 32 : i32
    %eq3A_184 = arith.constant 0 : i32
    %eq3A_185 = arith.cmpi eq, %jit3A_183, %eq3A_184 : i32
    %jit3A_186 = arith.constant 1 : i32
    %select_n3A_187 = arith.select %eq3A_185, %jit3A_186, %jit3A_183 : i32
    %rem3A_188 = vector.broadcast %select_n3A_187 : i32 to vector<512x832xi32>
    %rem3A_189 = arith.remsi %iota3A_182, %rem3A_188 : vector<512x832xi32>
    %ne3A_190 = arith.constant 0 : i32
    %ne3A_191 = vector.broadcast %ne3A_190 : i32 to vector<512x832xi32>
    %ne3A_192 = arith.cmpi ne, %rem3A_189, %ne3A_191 : vector<512x832xi32>
    %lt3A_193 = arith.constant 0 : i32
    %lt3A_194 = vector.broadcast %lt3A_193 : i32 to vector<512x832xi32>
    %lt3A_195 = arith.cmpi slt, %rem3A_189, %lt3A_194 : vector<512x832xi32>
    %lt3A_196 = arith.constant 0 : i32
    %lt3A_197 = arith.cmpi slt, %select_n3A_187, %lt3A_196 : i32
    %ne3A_198 = vector.broadcast %lt3A_197 : i1 to vector<512x832xi1>
    %ne3A_199 = vector.broadcast %ne3A_198 : vector<512x832xi1> to vector<512x832xi1>
    %ne3A_200 = arith.xori %lt3A_195, %ne3A_199 : vector<512x832xi1>
    %and3A_201 = arith.andi %ne3A_200, %ne3A_192 : vector<512x832xi1>
    %add3A_202 = vector.broadcast %select_n3A_187 : i32 to vector<512x832xi32>
    %add3A_203 = arith.addi %rem3A_189, %add3A_202 : vector<512x832xi32>
    %select_n3A_204 = arith.select %and3A_201, %add3A_203, %rem3A_189 : vector<512x832xi1>, vector<512x832xi32>
    %slice3A_205 = vector.extract_strided_slice %add3A_181 {offsets = [0, 1], sizes = [512, 831], strides = [1, 1]} : vector<512x832xf32> to vector<512x831xf32>
    %slice3A_206 = vector.extract_strided_slice %add3A_181 {offsets = [0, 0], sizes = [512, 1], strides = [1, 1]} : vector<512x832xf32> to vector<512x1xf32>
    %concatenate3A = tpu.concatenate %slice3A_205, %slice3A_206 in 1 : vector<512x831xf32>, vector<512x1xf32> -> vector<512x832xf32>
    %slice3A_207 = vector.extract_strided_slice %add3A_181 {offsets = [0, 801], sizes = [512, 31], strides = [1, 1]} : vector<512x832xf32> to vector<512x31xf32>
    %slice3A_208 = vector.extract_strided_slice %add3A_181 {offsets = [0, 0], sizes = [512, 801], strides = [1, 1]} : vector<512x832xf32> to vector<512x801xf32>
    %concatenate3A_209 = tpu.concatenate %slice3A_207, %slice3A_208 in 1 : vector<512x31xf32>, vector<512x801xf32> -> vector<512x832xf32>
    %lt3A_210 = arith.constant 31 : i32
    %lt3A_211 = vector.broadcast %lt3A_210 : i32 to vector<512x832xi32>
    %lt3A_212 = arith.cmpi slt, %select_n3A_204, %lt3A_211 : vector<512x832xi32>
    %select_n3A_213 = arith.select %lt3A_212, %concatenate3A, %concatenate3A_209 : vector<512x832xi1>, vector<512x832xf32>
    %max3A_214 = arith.maximumf %add3A_181, %select_n3A_213 : vector<512x832xf32>
    %slice3A_215 = vector.extract_strided_slice %max3A_214 {offsets = [0, 2], sizes = [512, 830], strides = [1, 1]} : vector<512x832xf32> to vector<512x830xf32>
    %slice3A_216 = vector.extract_strided_slice %max3A_214 {offsets = [0, 0], sizes = [512, 2], strides = [1, 1]} : vector<512x832xf32> to vector<512x2xf32>
    %concatenate3A_217 = tpu.concatenate %slice3A_215, %slice3A_216 in 1 : vector<512x830xf32>, vector<512x2xf32> -> vector<512x832xf32>
    %slice3A_218 = vector.extract_strided_slice %max3A_214 {offsets = [0, 802], sizes = [512, 30], strides = [1, 1]} : vector<512x832xf32> to vector<512x30xf32>
    %slice3A_219 = vector.extract_strided_slice %max3A_214 {offsets = [0, 0], sizes = [512, 802], strides = [1, 1]} : vector<512x832xf32> to vector<512x802xf32>
    %concatenate3A_220 = tpu.concatenate %slice3A_218, %slice3A_219 in 1 : vector<512x30xf32>, vector<512x802xf32> -> vector<512x832xf32>
    %lt3A_221 = arith.constant 30 : i32
    %lt3A_222 = vector.broadcast %lt3A_221 : i32 to vector<512x832xi32>
    %lt3A_223 = arith.cmpi slt, %select_n3A_204, %lt3A_222 : vector<512x832xi32>
    %select_n3A_224 = arith.select %lt3A_223, %concatenate3A_217, %concatenate3A_220 : vector<512x832xi1>, vector<512x832xf32>
    %max3A_225 = arith.maximumf %max3A_214, %select_n3A_224 : vector<512x832xf32>
    %slice3A_226 = vector.extract_strided_slice %max3A_225 {offsets = [0, 4], sizes = [512, 828], strides = [1, 1]} : vector<512x832xf32> to vector<512x828xf32>
    %slice3A_227 = vector.extract_strided_slice %max3A_225 {offsets = [0, 0], sizes = [512, 4], strides = [1, 1]} : vector<512x832xf32> to vector<512x4xf32>
    %concatenate3A_228 = tpu.concatenate %slice3A_226, %slice3A_227 in 1 : vector<512x828xf32>, vector<512x4xf32> -> vector<512x832xf32>
    %slice3A_229 = vector.extract_strided_slice %max3A_225 {offsets = [0, 804], sizes = [512, 28], strides = [1, 1]} : vector<512x832xf32> to vector<512x28xf32>
    %slice3A_230 = vector.extract_strided_slice %max3A_225 {offsets = [0, 0], sizes = [512, 804], strides = [1, 1]} : vector<512x832xf32> to vector<512x804xf32>
    %concatenate3A_231 = tpu.concatenate %slice3A_229, %slice3A_230 in 1 : vector<512x28xf32>, vector<512x804xf32> -> vector<512x832xf32>
    %lt3A_232 = arith.constant 28 : i32
    %lt3A_233 = vector.broadcast %lt3A_232 : i32 to vector<512x832xi32>
    %lt3A_234 = arith.cmpi slt, %select_n3A_204, %lt3A_233 : vector<512x832xi32>
    %select_n3A_235 = arith.select %lt3A_234, %concatenate3A_228, %concatenate3A_231 : vector<512x832xi1>, vector<512x832xf32>
    %max3A_236 = arith.maximumf %max3A_225, %select_n3A_235 : vector<512x832xf32>
    %slice3A_237 = vector.extract_strided_slice %max3A_236 {offsets = [0, 8], sizes = [512, 824], strides = [1, 1]} : vector<512x832xf32> to vector<512x824xf32>
    %slice3A_238 = vector.extract_strided_slice %max3A_236 {offsets = [0, 0], sizes = [512, 8], strides = [1, 1]} : vector<512x832xf32> to vector<512x8xf32>
    %concatenate3A_239 = tpu.concatenate %slice3A_237, %slice3A_238 in 1 : vector<512x824xf32>, vector<512x8xf32> -> vector<512x832xf32>
    %slice3A_240 = vector.extract_strided_slice %max3A_236 {offsets = [0, 808], sizes = [512, 24], strides = [1, 1]} : vector<512x832xf32> to vector<512x24xf32>
    %slice3A_241 = vector.extract_strided_slice %max3A_236 {offsets = [0, 0], sizes = [512, 808], strides = [1, 1]} : vector<512x832xf32> to vector<512x808xf32>
    %concatenate3A_242 = tpu.concatenate %slice3A_240, %slice3A_241 in 1 : vector<512x24xf32>, vector<512x808xf32> -> vector<512x832xf32>
    %lt3A_243 = arith.constant 24 : i32
    %lt3A_244 = vector.broadcast %lt3A_243 : i32 to vector<512x832xi32>
    %lt3A_245 = arith.cmpi slt, %select_n3A_204, %lt3A_244 : vector<512x832xi32>
    %select_n3A_246 = arith.select %lt3A_245, %concatenate3A_239, %concatenate3A_242 : vector<512x832xi1>, vector<512x832xf32>
    %max3A_247 = arith.maximumf %max3A_236, %select_n3A_246 : vector<512x832xf32>
    %slice3A_248 = vector.extract_strided_slice %max3A_247 {offsets = [0, 16], sizes = [512, 816], strides = [1, 1]} : vector<512x832xf32> to vector<512x816xf32>
    %slice3A_249 = vector.extract_strided_slice %max3A_247 {offsets = [0, 0], sizes = [512, 16], strides = [1, 1]} : vector<512x832xf32> to vector<512x16xf32>
    %concatenate3A_250 = tpu.concatenate %slice3A_248, %slice3A_249 in 1 : vector<512x816xf32>, vector<512x16xf32> -> vector<512x832xf32>
    %slice3A_251 = vector.extract_strided_slice %max3A_247 {offsets = [0, 816], sizes = [512, 16], strides = [1, 1]} : vector<512x832xf32> to vector<512x16xf32>
    %slice3A_252 = vector.extract_strided_slice %max3A_247 {offsets = [0, 0], sizes = [512, 816], strides = [1, 1]} : vector<512x832xf32> to vector<512x816xf32>
    %concatenate3A_253 = tpu.concatenate %slice3A_251, %slice3A_252 in 1 : vector<512x16xf32>, vector<512x816xf32> -> vector<512x832xf32>
    %lt3A_254 = arith.constant 16 : i32
    %lt3A_255 = vector.broadcast %lt3A_254 : i32 to vector<512x832xi32>
    %lt3A_256 = arith.cmpi slt, %select_n3A_204, %lt3A_255 : vector<512x832xi32>
    %select_n3A_257 = arith.select %lt3A_256, %concatenate3A_250, %concatenate3A_253 : vector<512x832xi1>, vector<512x832xf32>
    %max3A_258 = arith.maximumf %max3A_247, %select_n3A_257 : vector<512x832xf32>
    %eq3A_259 = arith.cmpf oeq, %add3A_181, %max3A_258 : vector<512x832xf32>
    %jit3A_260 = arith.constant 0.000000e+00 : f32
    %jit3A_261 = arith.constant -69.0775528 : f32
    %broadcast_in_dim3A_262 = vector.broadcast %jit3A_260 : f32 to vector<512x832xf32>
    %broadcast_in_dim3A_263 = vector.broadcast %jit3A_261 : f32 to vector<512x832xf32>
    %select_n3A_264 = arith.select %eq3A_259, %broadcast_in_dim3A_262, %broadcast_in_dim3A_263 : vector<512x832xi1>, vector<512x832xf32>
    %concatenate3A_265 = tpu.concatenate %add3A_27, %sub3A_167 in 1 : vector<512x16xf32>, vector<512x832xf32> -> vector<512x848xf32>
    %swap3A = arith.constant 0 : index
    %swap3A_266 = arith.constant 0 : index
    %swap3A_267 = vector.load %arg8[%swap3A, %swap3A_266] : memref<512x848xf32, #tpu.memory_space<vmem>>, vector<512x848xf32>
    tpu.vector_store %arg8[%swap3A, %swap3A_266], %concatenate3A_265 {strides = array<i32>} : memref<512x848xf32, #tpu.memory_space<vmem>>, vector<512x848xf32>,
    %swap3A_268 = arith.constant 0 : index
    %swap3A_269 = arith.constant 0 : index
    %swap3A_270 = vector.load %arg9[%swap3A_268, %swap3A_269] : memref<512x832xf32, #tpu.memory_space<vmem>>, vector<512x832xf32>
    tpu.vector_store %arg9[%swap3A_268, %swap3A_269], %select_n3A_264 {strides = array<i32>} : memref<512x832xf32, #tpu.memory_space<vmem>>, vector<512x832xf32>,
    return
  }
  func.func @transform_0(%arg0: i32) -> (i32, i32) {
    %c0_i32 = arith.constant 0 : i32
    %c0_i32_0 = arith.constant 0 : i32
    return %arg0, %c0_i32 : i32, i32
  }
  func.func @transform_1(%arg0: i32) -> (i32, i32) {
    %c0_i32 = arith.constant 0 : i32
    %c0_i32_0 = arith.constant 0 : i32
    return %arg0, %c0_i32 : i32, i32
  }
  func.func @transform_2(%arg0: i32) -> (i32, i32) {
    %c0_i32 = arith.constant 0 : i32
    %c0_i32_0 = arith.constant 0 : i32
    return %arg0, %c0_i32 : i32, i32
  }
  func.func @transform_3(%arg0: i32) -> (i32, i32) {
    %c0_i32 = arith.constant 0 : i32
    %c0_i32_0 = arith.constant 0 : i32
    return %arg0, %c0_i32 : i32, i32
  }
  func.func @transform_4(%arg0: i32) -> (i32, i32) {
    %c0_i32 = arith.constant 0 : i32
    %c0_i32_0 = arith.constant 0 : i32
    return %arg0, %c0_i32 : i32, i32
  }
  func.func @transform_5(%arg0: i32) -> (i32, i32) {
    %c0_i32 = arith.constant 0 : i32
    %c0_i32_0 = arith.constant 0 : i32
    return %arg0, %c0_i32 : i32, i32
  }
  func.func @transform_6(%arg0: i32) -> (i32, i32) {
    %c0_i32 = arith.constant 0 : i32
    %c0_i32_0 = arith.constant 0 : i32
    return %arg0, %c0_i32 : i32, i32
  }
  func.func @transform_7(%arg0: i32) -> (i32, i32) {
    %c0_i32 = arith.constant 0 : i32
    %c0_i32_0 = arith.constant 0 : i32
    return %arg0, %c0_i32 : i32, i32
  }
  func.func @transform_8(%arg0: i32) -> (i32, i32) {
    %c0_i32 = arith.constant 0 : i32
    %c0_i32_0 = arith.constant 0 : i32
    return %arg0, %c0_i32 : i32, i32
  }
}

</mosaic_0001>

<sc_bundles>
// kernel: kernel.5.cloned.1.call-start
scs
__scs_entry_jumppad:
0x0: {  	(pc) =	sbr.rel $0x88, $3  }
0x1: {  	(tag) =	ssettag $0x0;
	lr =	simm.s32 $0x1  }
0x2: {  	[smem:$0x3F99] =	sst lr;
	_ =	strace $0xD0000000  }
0x3: {  	_ = 	snop  }
0x4: {  	_ = 	snop  }
0x5: {  	_ = 	snop  }
0x6: {  	_ = 	snop  }
0x7: {  	_ = 	snop  }
__scs_overlays_trampoline_lowered:
0x8: {  	[smem:$0x3FA8] =	sst s0  }
0x9: {  	[smem:$0x3FA9] =	sst s1  }
0xa: {  	[smem:$0x3FAA] =	sst s2  }
0xb: {  	[smem:$0x3FAB] =	sst s3  }
0xc: {  	[smem:$0x3FAC] =	sst s4  }
0xd: {  	[smem:$0x3FAD] =	sst s5  }
0xe: {  	[smem:$0x3FAE] =	sst s6  }
0xf: {  	[smem:$0x3FAF] =	sst s7  }
0x10: {  	[smem:$0x3FB0] =	sst s8  }
0x11: {  	[smem:$0x3FB1] =	sst s9;
	s0 =	simm.s32 @!p0 $0x0  }
0x12: {  	s1 =	sld [smem:$0x3F97];
	s0 =	simm.s32 @p0 $0x1  }
0x13: {  	[smem:$0x3FB2] =	sst s0;
	s0 =	simm.s32 @!p1 $0x0  }
0x14: {  	s2 =	sld [smem:$0x3F96];
	s0 =	simm.s32 @p1 $0x1  }
0x15: {  	[smem:$0x3FB3] =	sst s0;
	s0 =	simm.s32 @!p2 $0x0  }
0x16: {  	s3 =	sld [smem:$0x3FDB];
	s0 =	simm.s32 @p2 $0x1  }
0x17: {  	s4 =	simm.s32 $0x1BF5;
	[smem:$0x3FB5] =	sst s0  }
0x18: {  	s0 =	sld [smem:$0x3F98];
	_ =	swait.ge [sflag:s4], $0x0  }
0x19: {  	s7 =	sld [smem:$0x3F99]  }
0x1a: {  	s8 =	sadd.s32 $0xFFFFE003, lr  }
0x1b: {  	s9 =	sadd.s32 $0xFFFFFEF7, lr;
	s5 =	simm.s32 $0xFFFFFFFF;
	p2 =	slt.u32 s8, $0xFFFFF086  }
0x1c: {  	p1 =	slt.u32 s9, $0xF7A;
	s5 =	simm.s32 @!p2 $0x0  }
0x1d: {  	s5 =	simm.s32 @p1 $0x1;
	p0 =	seq.s32 s7, s2  }
0x1e: {  	s7 =	smul.u32 @!p0 $0xF7A, s2;
	p2 =	seq.s32 @!p0 s5, $0x0  }
0x1f: {  	s9 =	smul.u32 $0xF7A, s1;
	s8 =	simm.s32 @!p0 $0x1BF5;
	p2 =	por !p2, p0  }
0x20: {  	[sflag:s8] =	ssyncset.s32 @!p0 $0xFFFFF086;
	s6 =	sadd.s32 @!p0 s3, s7;
	s7 =	simm.s32 @!p0 $0x108  }
0x21: {  	s3 =	sadd.s32 s3, s9;
	s6 =	sadd.s32 @!p0 $0x88, s6;
	s7 =	simm.s32 @p2 $0x1082  }
0x22: {  	[simem:s7], [sflag:s8] =	dma.local @!p0 [hbm:s6], $0xF7A  }
0x23: {  	s9 =	sor.u32 $0xD0000000, s2;
	s6 =	simm.s32 $0x108;
	_ =	swait.ge @!p0 [sflag:s8], $0x0  }
0x24: {  	s3 =	sadd.s32 $0x88, s3;
	s6 =	simm.s32 @!p1 $0x1082;
	[sflag:s4] =	ssyncset.s32 $0xFFFFF086  }
0x25: {  	[simem:s6], [sflag:s4] =	dma.local [hbm:s3], $0xF7A  }
0x26: {  	[smem:$0x3F99] =	sst s1;
	(tag) =	ssettag s2;
	_ =	strace s9  }
0x27: {  	s1 =	sld [smem:$0x3FA9]  }
0x28: {  	s2 =	sld [smem:$0x3FAA]  }
0x29: {  	s4 =	sld [smem:$0x3FAC]  }
0x2a: {  	p0 =	seq.s32 s5, $0x0;
	s5 =	sld [smem:$0x3FAD]  }
0x2b: {  	s6 =	sld [smem:$0x3FAE]  }
0x2c: {  	s7 =	sld [smem:$0x3FAF]  }
0x2d: {  	s3 =	simm.s32 $0x108;
	s8 =	sld [smem:$0x3FB0]  }
0x2e: {  	s3 =	simm.s32 @!p0 $0x1082;
	s9 =	sld [smem:$0x3FB1]  }
0x2f: {  	lr =	sadd.s32 s0, s3;
	s0 =	sld [smem:$0x3FA8]  }
0x30: {  	s3 =	sld [smem:$0x3FAB]  }
0x31: {  	[smem:$0x3FB4] =	sst s10  }
0x32: {  	s10 =	sld [smem:$0x3FB2];
	_ =	sdelay $0x3  }
0x33: {  	p0 =	seq.s32 s10, $0x1;
	s10 =	sld [smem:$0x3FB4];
	_ =	sdelay $0x3  }
0x34: {  	[smem:$0x3FB4] =	sst s10  }
0x35: {  	s10 =	sld [smem:$0x3FB3];
	_ =	sdelay $0x3  }
0x36: {  	p1 =	seq.s32 s10, $0x1;
	s10 =	sld [smem:$0x3FB4];
	_ =	sdelay $0x3  }
0x37: {  	[smem:$0x3FB4] =	sst s10  }
0x38: {  	s10 =	sld [smem:$0x3FB5]  }
0x39: {  	_ = 	snop;
	(pc) =	sbr.ind lr, $3  }
0x3a: {  	_ = 	snop  }
0x3b: {  	_ = 	snop  }
0x3c: {  	p2 =	seq.s32 s10, $0x1;
	s10 =	sld [smem:$0x3FB4]  }
0x3d: {  	_ =	shalt  }
0x3e: {  	_ =	shalt  }
0x3f: {  	_ =	shalt  }
0x40: {  	_ =	shalt  }
0x41: {  	_ =	shalt  }
0x42: {  	_ =	shalt  }
0x43: {  	_ =	shalt  }
0x44: {  	_ =	shalt  }
0x45: {  	_ =	shalt  }
0x46: {  	_ =	shalt  }
0x47: {  	_ =	shalt  }
0x48: {  	_ =	shalt  }
0x49: {  	_ =	shalt  }
0x4a: {  	_ =	shalt  }
0x4b: {  	_ =	shalt  }
0x4c: {  	_ =	shalt  }
0x4d: {  	_ =	shalt  }
0x4e: {  	_ =	shalt  }
0x4f: {  	_ =	shalt  }
0x50: {  	_ =	shalt  }
0x51: {  	_ =	shalt  }
0x52: {  	_ =	shalt  }
0x53: {  	_ =	shalt  }
0x54: {  	_ =	shalt  }
0x55: {  	_ =	shalt  }
0x56: {  	_ =	shalt  }
0x57: {  	_ =	shalt  }
0x58: {  	_ =	shalt  }
0x59: {  	_ =	shalt  }
0x5a: {  	_ =	shalt  }
0x5b: {  	_ =	shalt  }
0x5c: {  	_ =	shalt  }
0x5d: {  	_ =	shalt  }
0x5e: {  	_ =	shalt  }
0x5f: {  	_ =	shalt  }
0x60: {  	_ =	shalt  }
0x61: {  	_ =	shalt  }
0x62: {  	_ =	shalt  }
0x63: {  	_ =	shalt  }
0x64: {  	_ =	shalt  }
0x65: {  	_ =	shalt  }
0x66: {  	_ =	shalt  }
0x67: {  	_ =	shalt  }
0x68: {  	_ =	shalt  }
0x69: {  	_ =	shalt  }
0x6a: {  	_ =	shalt  }
0x6b: {  	_ =	shalt  }
0x6c: {  	_ =	shalt  }
0x6d: {  	_ =	shalt  }
0x6e: {  	_ =	shalt  }
0x6f: {  	_ =	shalt  }
0x70: {  	_ =	shalt  }
0x71: {  	_ =	shalt  }
0x72: {  	_ =	shalt  }
0x73: {  	_ =	shalt  }
0x74: {  	_ =	shalt  }
0x75: {  	_ =	shalt  }
0x76: {  	_ =	shalt  }
0x77: {  	_ =	shalt  }
0x78: {  	_ =	shalt  }
0x79: {  	_ =	shalt  }
0x7a: {  	_ =	shalt  }
0x7b: {  	_ =	shalt  }
0x7c: {  	_ =	shalt  }
0x7d: {  	_ =	shalt  }
0x7e: {  	_ =	shalt  }
0x7f: {  	_ =	shalt  }
0x80: {  	_ =	shalt  }
0x81: {  	_ =	shalt  }
0x82: {  	_ =	shalt  }
0x83: {  	_ =	shalt  }
0x84: {  	_ =	shalt  }
0x85: {  	_ =	shalt  }
0x86: {  	_ =	shalt  }
0x87: {  	_ =	shalt  }
.Lfunc_end0:
.L_simem_size_0:
called_computation_lowered:
.L_overlay_start_0:
0x88: {  	s2 =	sld [smem:$0x3FD9]  }
0x89: {  	s3 =	sld [smem:$0x3FFE];
	_ =	sdelay $0x1  }
0x8a: {  	s1 =	srdreg.scid  }
0x8b: {  	s0 =	sand.u32 $0x1, s1  }
0x8c: {  	s17 =	sshll.u32 s0, $0xA;
	s2 =	sadd.s32 s3, s2  }
0x8d: {  	s2 =	sadd.s32 s2, s17  }
0x8e: {  	[smem:$0x3FC0] =	sst s2  }
0x8f: {  	_ = 	snop  }
0x90: {  	s2 =	sld [smem:$0x3FC3];
	(tm) =	ssettm $0x1  }
0x91: {  	s18 =	sld [smem:$0x3FFB];
	_ =	sdelay $0x3  }
0x92: {  	_ =	strace s18  }
0x93: {  	s3 =	sld [smem:$0x3FFC];
	_ =	sdelay $0x3  }
0x94: {  	_ =	strace s3  }
0x95: {  	s3 =	sld [smem:$0x3FFD];
	_ =	sdelay $0x3  }
0x96: {  	_ =	strace s3  }
0x97: {  	_ =	strace $0x8FFFFFFF  }
0x98: {  	s19 =	sld [smem:$0x3FDB];
	_ =	sdelay $0x1  }
0x99: {  	s4 =	simm.s32 $_scs_section_size  }
0x9a: {  	s5 =	simm.s32 $_size__tile_overlayer_lowered;
	s6 =	simm.s32 $_tile_overlayer_lowered  }
0x9b: {  	s22 =	simm.s32 $0x1BFF;
	s21 =	sshll.u32 s6, $0x1;
	s3 =	sadd.s32 s4, s19  }
0x9c: {  	s7 =	simm.s32 $0x0;
	s20 =	sshll.u32 s5, $0x1;
	s5 =	sadd.s32 s21, s3  }
0x9d: {  	[timem:s7], [sflag:s22] =	dma.local [hbm:s5], s20  }
0x9e: {  	_ =	swait.ge [sflag:s22], s20  }
0x9f: {  	s4 =	ssub.s32 $0x0, s20;
	[sflag:s22] =	ssyncset.done $0x0  }
0xa0: {  	[sflag:s22] =	ssyncadd.s32 s4;
	_ =	sdelay $0x1  }
0xa1: {  	s23 =	simm.s32 $0x1B8B  }
0xa2: {  	_ =	swait.ge [sflag:s23], $0x1  }
0xa3: {  	[sflag:s23] =	ssyncset.done $0x0  }
0xa4: {  	s25 =	simm.s32 $0x1B8E;
	s24 =	sld [smem:$0x3FFE];
	[sflag:s23] =	ssyncadd.s32 $0xFFFFFFFF  }
0xa5: {  	s26 =	simm.s32 $execute0_lowered;
	[smem:$0x3FD2] =	sst s25  }
0xa6: {  	s5 =	sshll.u32 s26, $0x1;
	_ =	strace $0x80000046;
	[dreg:$0x1] =	wrdreg $0xFFFFFFFF  }
0xa7: {  	s28 =	simm.s32 $_size_execute0_lowered;
	s3 =	sadd.s32 s3, s5;
	[dreg:$0x0] =	wrdreg $0x0  }
0xa8: {  	s5 =	sshll.u32 s28, $0x1;
	[dreg:$0x2] =	wrdreg s3  }
0xa9: {  	[dreg:$0x3] =	wrdreg s5  }
0xaa: {  	[dreg:$0x4] =	wrdreg $0xC0  }
0xab: {  	_ =	task [dreg:s7], $0x5FFFF  }
0xac: {  	[dreg:$0x1] =	wrdreg $0xFFFFFFFF  }
0xad: {  	[dreg:$0x0] =	wrdreg $0x60  }
0xae: {  	[dreg:$0x2] =	wrdreg s24  }
0xaf: {  	[dreg:$0x3] =	wrdreg s2  }
0xb0: {  	[dreg:$0x4] =	wrdreg $0x9  }
0xb1: {  	_ =	task.clear_ibuf [dreg:s7], $0x5FFFF;
	_ =	strace $0x90000046  }
0xb2: {  	s29 =	simm.s32 $0x9;
	_ =	strace $0x80000048  }
0xb3: {  	_ =	swait.ge [sflag:s29], $0x1  }
0xb4: {  	[sflag:s29] =	ssyncadd.s32 $0xFFFFFFFF  }
0xb5: {  	_ =	strace $0x90000048  }
0xb6: {  	_ =	sfence  }
0xb7: {  	s30 =	sld [smem:$0x0];
	_ =	sdelay $0x2  }
0xb8: {  	s31 =	sshll.u32 s1, $0xD;
	s1 =	sshrl.u32 s1, $0x2  }
0xb9: {  	s3 =	sand.u32 $0x4000, s31;
	s1 =	sadd.s32 s1, s30  }
0xba: {  	s0 =	sor.u32 s3, s0;
	s1 =	sshll.u32 s1, $0x11  }
0xbb: {  	s0 =	sor.u32 s1, s0  }
0xbc: {  	s0 =	sadd.s32 $0x8F2B, s0  }
0xbd: {  	[sflag:s0] =	ssyncadd.remote.s32 $0x1  }
0xbe: {  	_ =	sfence.sel $0xFFFF  }
0xbf: {  	[dreg:$0x0] =	wrdreg $0xFFFFFFFF;
	(pc) =	sbr.abs _section_cstart, $3  }
0xc0: {  	[dreg:$0x1] =	wrdreg $0xFFFFFFFF  }
0xc1: {  	_ =	task.clear_ibuf [dreg:s7], $0x2FFFF;
	_ =	strace $0x9FFFFFFF  }
0xc2: {  	(tm) =	ssettm $0x7FFFFFFF  }
0xc3: {  	_ =	shalt  }
tec
execute0_lowered:
.L_overlay_start_1:
0x0: {  	(tag) =	ssettag $0x1  }
0x1: {  	s1 =	srdreg.scid  }
0x2: {  	s14 =	rddreg [dreg:$0x0];
	s0 =	stileid.u32;
	s15 =	sand.u32 $0x1, s1  }
0x3: {  	s3 =	rddreg [dreg:$0x1];
	s4 =	sshll.u32 s0, $0xA;
	s5 =	sshll.u32 s15, $0x9  }
0x4: {  	s2 =	simm.s32 $0x0;
	s1 =	rddreg [dreg:$0x2];
	s16 =	sor.u32 s5, s4  }
0x5: {  	[smem:$0x7FF] =	sst s2;
	s4 =	sshrl.u32 s16, $0x3  }
0x6: {  	_ =	strace $0x80000047;
	s4 =	sadd.s32 s3, s4;
	s3 =	simm.s32 $0x2  }
0x7: {  	[tilespmem:s2], [sflag:$0x2] =	stream.linear.gather [hbm4b:s4+s2], $0x200, $0x38;
	[tilespmem:$0x10200] =	vst v63  }
0x8: {  	_ =	swait.ge [sflag:s3], $0x200  }
0x9: {  	s6 =	simm.s32 $0x80;
	[sflag:s3] =	ssyncset.done $0x0  }
0xa: {  	s7 =	simm.s32 $0x200;
	s5 =	sadd.s32 $0xC00, s14;
	[sflag:s3] =	ssyncadd.s32 $0xFFFFFE00  }
0xb: {  	[tilespmem:s7], [sflag:$0x1] =	stream.indirect.gather [hbm4b:s5+s6], $0x80, s2, s6, $0xb8;
	[tilespmem:$0x10200] =	vst v63  }
0xc: {  	s8 =	simm.s32 $0x4200  }
0xd: {  	[tilespmem:s8], [sflag:$0x1] =	stream.indirect.gather [hbm4b:s5+s6], $0x80, s6, s6, $0xb8;
	[tilespmem:$0x10200] =	vst v63  }
0xe: {  	s9 =	simm.s32 $0x100;
	s10 =	simm.s32 $0x8200  }
0xf: {  	[tilespmem:s10], [sflag:$0x1] =	stream.indirect.gather [hbm4b:s5+s6], $0x80, s9, s6, $0xb8;
	[tilespmem:$0x10200] =	vst v63  }
0x10: {  	s11 =	simm.s32 $0x180;
	s12 =	simm.s32 $0xC200;
	s13 =	simm.s32 $0x1  }
0x11: {  	[tilespmem:s12], [sflag:$0x1] =	stream.indirect.gather [hbm4b:s5+s6], $0x80, s11, s6, $0xb8;
	[tilespmem:$0x10200] =	vst v63  }
0x12: {  	_ =	swait.ge [sflag:s13], $0x4000  }
0x13: {  	[sflag:s13] =	ssyncset.done $0x0  }
0x14: {  	[sflag:s13] =	ssyncadd.s32 $0xFFFFC000  }
0x15: {  	_ =	swait.ge [sflag:s13], $0x4000  }
0x16: {  	[sflag:s13] =	ssyncset.done $0x0  }
0x17: {  	s15 =	ssub.s32 $0x2, s15;
	[sflag:s13] =	ssyncadd.s32 $0xFFFFC000  }
0x18: {  	s17 =	sshrl.u32 s15, $0x1;
	_ =	swait.ge [sflag:s13], $0x4000  }
0x19: {  	s15 =	ssub.s32 s15, s17;
	[sflag:s13] =	ssyncset.done $0x0  }
0x1a: {  	s15 =	smax.u32 s15, $0x1;
	[sflag:s13] =	ssyncadd.s32 $0xFFFFC000  }
0x1b: {  	s16 =	sshll.u32 s16, $0x4;
	p0 =	sne.s32 s15, $0x1;
	_ =	swait.ge [sflag:s13], $0x4000  }
.Ltmp0:
0x1c: {  	s14 =	sadd.s32 s16, s14;
	[sflag:s13] =	ssyncset.done $0x0;
	(pc) =	sbr.rel @!p0 .LBB2_2-.Ltmp0, $4  }
0x1d: {  	s14 =	sadd.s32 $0x4C00, s14;
	[sflag:s13] =	ssyncadd.s32 $0xFFFFC000  }
0x1e: {  	[hbm4b:s14+s2] =	stream.linear.scatter [tilespmem:s7], [sflag:$0x2], $0x10000, $0x38;
	[tilespmem:$0x10200] =	vst v63  }
0x1f: {  	_ =	swait.ge [sflag:s3], $0x10000  }
0x20: {  	s15 =	sadd.s32 $0xFFFFFFFF, s15;
	[sflag:s3] =	ssyncset.done $0x0  }
.LBB2_1:
0x21: {  	p0 =	sne.s32 s15, $0x1;
	s15 =	sadd.s32 $0xFFFFFFFF, s15;
	[sflag:s3] =	ssyncadd.s32 $0xFFFF0000  }
0x22: {  	[tilespmem:s2], [sflag:$0x2] =	stream.linear.gather [hbm4b:s4+s2], $0x200, $0x38;
	[tilespmem:$0x10200] =	vst v63  }
0x23: {  	_ =	swait.ge [sflag:s3], $0x200  }
0x24: {  	[sflag:s3] =	ssyncset.done $0x0  }
0x25: {  	[sflag:s3] =	ssyncadd.s32 $0xFFFFFE00  }
0x26: {  	[tilespmem:s7], [sflag:$0x1] =	stream.indirect.gather [hbm4b:s5+s6], $0x80, s2, s6, $0xb8;
	[tilespmem:$0x10200] =	vst v63  }
0x27: {  	_ = 	snop  }
0x28: {  	[tilespmem:s8], [sflag:$0x1] =	stream.indirect.gather [hbm4b:s5+s6], $0x80, s6, s6, $0xb8;
	[tilespmem:$0x10200] =	vst v63  }
0x29: {  	_ = 	snop  }
0x2a: {  	[tilespmem:s10], [sflag:$0x1] =	stream.indirect.gather [hbm4b:s5+s6], $0x80, s9, s6, $0xb8;
	[tilespmem:$0x10200] =	vst v63  }
0x2b: {  	_ = 	snop  }
0x2c: {  	[tilespmem:s12], [sflag:$0x1] =	stream.indirect.gather [hbm4b:s5+s6], $0x80, s11, s6, $0xb8;
	[tilespmem:$0x10200] =	vst v63  }
0x2d: {  	_ =	swait.ge [sflag:s13], $0x4000  }
0x2e: {  	[sflag:s13] =	ssyncset.done $0x0  }
0x2f: {  	[sflag:s13] =	ssyncadd.s32 $0xFFFFC000  }
0x30: {  	_ =	swait.ge [sflag:s13], $0x4000  }
0x31: {  	[sflag:s13] =	ssyncset.done $0x0  }
0x32: {  	[sflag:s13] =	ssyncadd.s32 $0xFFFFC000  }
0x33: {  	_ =	swait.ge [sflag:s13], $0x4000  }
0x34: {  	[sflag:s13] =	ssyncset.done $0x0  }
0x35: {  	[sflag:s13] =	ssyncadd.s32 $0xFFFFC000  }
0x36: {  	_ =	swait.ge [sflag:s13], $0x4000  }
.Ltmp1:
0x37: {  	[sflag:s13] =	ssyncset.done $0x0;
	(pc) =	sbr.rel @p0 .LBB2_1-.Ltmp1, $4  }
0x38: {  	[sflag:s13] =	ssyncadd.s32 $0xFFFFC000  }
0x39: {  	[hbm4b:s14+s2] =	stream.linear.scatter [tilespmem:s7], [sflag:$0x2], $0x10000, $0x38;
	[tilespmem:$0x10200] =	vst v63  }
0x3a: {  	_ =	swait.ge [sflag:s3], $0x10000  }
0x3b: {  	[sflag:s3] =	ssyncset.done $0x0  }
.LBB2_2:
0x3c: {  	[sflag:s3] =	ssyncadd.s32 $0xFFFF0000  }
0x3d: {  	_ =	sfence.sel $0x180000  }
0x3e: {  	[bflag:$0x0] =	sbarrier.arrive $0xFFFF  }
0x3f: {  	p0 =	sne.s32 s0, $0x0;
	_ =	strace $0x90000047  }
0x40: {  	s0 =	sadd.s32 @!p0 $0x100000, s1;
	[bflag:$0x2] =	sbarrier.arrive $0xFFFF  }
0x41: {  	[sflag:s0] =	ssyncadd.tile.s32 @!p0 $0x1;
	_ =	shalt  }
.Lfunc_end2:
_tile_overlayer_lowered:
.L_overlay_start_2:
0x42: {  	(tag) =	ssettag $0x2  }
0x43: {  	s0 =	rddreg [dreg:$0x0];
	s2 =	stileid.u32  }
0x44: {  	s1 =	rddreg [dreg:$0x1];
	p0 =	sne.s32 s2, $0x0  }
0x45: {  	s3 =	rddreg [dreg:$0x2];
	[bflag:$0x3] =	sbarrier.arrive $0xFFFF;
	s2 =	simm.s32 @!p0 $0x1C02  }
0x46: {  	[timem:s3], [sflag:s2] =	dma.local @!p0 [hbm:s0], s1  }
0x47: {  	s0 =	simm.s32 @!p0 $0x2  }
0x48: {  	_ =	swait.ge @!p0 [sflag:s0], s1  }
0x49: {  	s1 =	ssub.s32 @!p0 $0x0, s1;
	[sflag:s0] =	ssyncset.done @!p0 $0x0  }
0x4a: {  	[sflag:s0] =	ssyncadd.s32 @!p0 s1  }
0x4b: {  	[bflag:$0x3] =	sbarrier.arrive $0xFFFF  }
0x4c: {  	_ =	shalt  }

</sc_bundles>
